<compile_context>
chip_gen: v7x
topology: tpu7x:2x2x1
jax: 0.10.2.dev20260603
libtpu: 0.0.44.dev20260713+nightly
codegen_flags: <defaults>
</compile_context>

<pallas_src>
import functools

import jax
import jax.numpy as jnp
from jax import lax
from jax.experimental import pallas as pl
from jax.experimental.pallas import tpu as pltpu
from jax.experimental.pallas import tpu_sc as plsc

_BS = 16
_SEQ_LEN = 512
_N_VARS = 64
_D_MODEL = 256
_N_CLUSTER = 8
_EPS = 0.5
_MIN_SAMPLES = 5
_N = _BS * _N_VARS


def _fused_body(x_ref, w_ref, b_ref, emb_ref, c0_ref, cc_ref, af_ref):
    X = x_ref[...]
    Wm = w_ref[...]
    emb = lax.dot_general(X, Wm, (((1,), (1,)), ((), ())),
                          preferred_element_type=jnp.float32) + b_ref[...]
    emb_ref[...] = emb
    c0_ref[...] = jnp.sum(emb, axis=0, keepdims=True) * jnp.float32(
        1.0 / (float(_N) + 1e-10))
    M = emb * emb
    sq_col = jnp.sum(M, axis=1, keepdims=True)
    ones = jnp.ones((1, _D_MODEL), jnp.float32)
    sq_row = lax.dot_general(ones, M, (((1,), (1,)), ((), ())),
                             preferred_element_type=jnp.float32)
    G = lax.dot_general(emb, emb, (((1,), (1,)), ((), ())),
                        preferred_element_type=jnp.float32)
    d2 = sq_col + sq_row - 2.0 * G
    neigh = d2 <= _EPS * _EPS
    counts = jnp.sum(neigh.astype(jnp.int32), axis=1, keepdims=True) - 1
    core = counts >= _MIN_SAMPLES
    cc_ref[...] = jnp.sum(core.astype(jnp.int32), axis=(0, 1), keepdims=True)
    af_ref[...] = (lax.broadcasted_iota(jnp.int32, (_N, _N_CLUSTER), 1)
                   == 0).astype(jnp.float32)


_fused = pl.pallas_call(
    _fused_body,
    out_shape=(
        jax.ShapeDtypeStruct((_N, _D_MODEL), jnp.float32),
        jax.ShapeDtypeStruct((1, _D_MODEL), jnp.float32),
        jax.ShapeDtypeStruct((1, 1), jnp.int32),
        jax.ShapeDtypeStruct((_N, _N_CLUSTER), jnp.float32),
    ),
)


_sc_mesh = plsc.VectorSubcoreMesh(core_axis_name="c", subcore_axis_name="s",
                                  num_cores=1)


@functools.partial(
    pl.kernel,
    out_type=jax.ShapeDtypeStruct((_N_CLUSTER - 1, _D_MODEL), jnp.float32),
    mesh=_sc_mesh,
    scratch_types=[
        pltpu.VMEM((8,), jnp.int32),
        pltpu.VMEM((8, _D_MODEL), jnp.float32),
        pltpu.SemaphoreType.DMA,
    ],
)
def _sc_centers(emb_hbm, idx_hbm, out_hbm, idx_v, rows_v, sem):

    @pl.when((lax.axis_index("c") == 0) & (lax.axis_index("s") == 0))
    def _():
        pltpu.sync_copy(idx_hbm, idx_v)
        pltpu.async_copy(emb_hbm.at[idx_v], rows_v, sem).wait()
        pltpu.sync_copy(rows_v.at[pl.ds(0, _N_CLUSTER - 1)], out_hbm)


def _fast_branch(ops):
    _, assign_fast = ops
    return assign_fast, jnp.zeros((_N_CLUSTER, _D_MODEL), jnp.float32)


def _slow_branch(ops):
    emb, _ = ops
    N = _N
    sq = jnp.sum(emb * emb, axis=1)
    d2 = sq[:, None] + sq[None, :] - 2.0 * (emb @ emb.T)
    distances = jnp.sqrt(jnp.clip(d2, 0.0, None))
    neighbors = (distances <= _EPS) & (~jnp.eye(N, dtype=bool))
    neighbor_counts = neighbors.sum(axis=1)
    core = neighbor_counts >= _MIN_SAMPLES
    core_count = core.sum()
    conn = jnp.where(core[:, None] & core[None, :], neighbors, False)
    conn = conn.astype(jnp.float32)
    n_iter = jnp.minimum(10, core_count)

    def sq_body(i, c):
        return jnp.where(i < n_iter, jnp.clip(c @ c, 0.0, 1.0), c)

    conn = lax.fori_loop(0, 10, sq_body, conn)

    def lbl_body(i, state):
        labels, visited, cur = state
        active = core[i] & (~visited[i])
        comp = conn[i] > 0
        comp_nb = jnp.any(neighbors & comp[:, None], axis=0)
        new_labels = jnp.where(comp | comp_nb, cur, labels)
        labels = jnp.where(active, new_labels, labels)
        visited = jnp.where(active, visited | comp, visited)
        cur = cur + jnp.where(active, jnp.int32(1), jnp.int32(0))
        return labels, visited, cur

    labels0 = jnp.full((N,), -1, dtype=jnp.int32)
    visited0 = jnp.zeros((N,), dtype=bool)
    labels, _, cur = lax.fori_loop(0, N, lbl_body, (labels0, visited0, jnp.int32(0)))
    labels = jnp.where(core_count == 0, jnp.zeros((N,), jnp.int32), labels)
    ncf = jnp.where(core_count == 0, jnp.int32(1), cur)
    noise = labels == -1
    has_assigned = jnp.any(~noise)
    nd = jnp.where(noise[None, :], jnp.inf, distances)
    nearest = jnp.argmin(nd, axis=1)
    labels = jnp.where(noise & has_assigned, labels[nearest], labels)
    cnts = jnp.zeros((N + 1,), dtype=jnp.int32).at[labels + 1].add(1)
    vals = jnp.arange(-1, N, dtype=jnp.int32)
    order = jnp.argsort(-cnts, stable=True)
    num_uniq = jnp.sum(cnts > 0)
    k = jnp.minimum(_N_CLUSTER, num_uniq)
    topk = vals[order]
    new = jnp.full((N,), -1, dtype=jnp.int32)
    for nid in range(_N_CLUSTER):
        new = jnp.where((nid < k) & (labels == topk[nid]), jnp.int32(nid), new)
    un = new == -1
    ud = jnp.where(un[None, :], jnp.inf, distances)
    na = jnp.argmin(ud, axis=1)
    new = jnp.where(un, new[na], new)
    labels = jnp.where(ncf > _N_CLUSTER, new, labels)
    ncf = jnp.minimum(ncf, jnp.int32(_N_CLUSTER))

    assignments = jax.nn.one_hot(labels, _N_CLUSTER, dtype=jnp.float32)
    onehot = jax.nn.one_hot(jnp.clip(labels, 0, None), _N_CLUSTER,
                            dtype=jnp.float32)
    sizes = onehot.sum(axis=0)[:, None]
    centers_full = onehot.T @ emb / (sizes + 1e-10)
    cand_list = []
    for m in range(1, _N_CLUSTER + 1):
        c = centers_full
        if m < _N_CLUSTER:
            ri = jax.random.randint(jax.random.key(42), (_N_CLUSTER - m,), 0, N)
            c = c.at[m:].set(emb[ri])
        cand_list.append(c)
    cands = jnp.stack(cand_list)
    centers = cands[ncf - 1]
    return assignments, centers


def kernel(x, W, b):
    xt = jnp.transpose(x, (0, 2, 1)).reshape(_N, _SEQ_LEN)
    emb, c0, cc, assign_fast = _fused(xt, W, b.reshape(1, _D_MODEL))
    ri = jax.random.randint(jax.random.key(42), (_N_CLUSTER - 1,), 0, _N)
    idx8 = jnp.zeros((8,), jnp.int32).at[0:_N_CLUSTER - 1].set(
        ri.astype(jnp.int32))
    gath7 = _sc_centers(emb, idx8)
    pred = cc[0, 0] > 0
    assign, centers_slow = lax.cond(pred, _slow_branch, _fast_branch,
                                    (emb, assign_fast))
    centers_fast = jnp.concatenate([c0, gath7], axis=0)
    centers = jnp.where(pred, centers_slow, centers_fast)
    prob = assign.reshape(_BS, _N_VARS, _N_CLUSTER)
    return prob, centers, emb

# --- scband reference (transcript-rebuilt; emitter-appended) ---
"""Pipeline reference for scband-dbscan-cluster-assigner-747324309801 (READ-ONLY COPY).

The authoritative reference and input builder live on the scoring server;
editing this copy changes nothing except your own understanding.
"""

import jax, jax.numpy as jnp
import numpy as np

BS = 16
SEQ_LEN = 512
N_VARS = 64
D_MODEL = 256
N_CLUSTER = 8
EPS = 0.5
MIN_SAMPLES = 5


def setup_inputs(seed: int = 0) -> dict:
    key = jax.random.key(seed)
    k1, k2, k3 = jax.random.split(key, 3)
    x = jax.random.normal(k1, (BS, SEQ_LEN, N_VARS), dtype=jnp.float32)
    lim = 1.0 / np.sqrt(SEQ_LEN)
    W = jax.random.uniform(k2, (D_MODEL, SEQ_LEN), minval=-lim, maxval=lim, dtype=jnp.float32)
    b = jax.random.uniform(k3, (D_MODEL,), minval=-lim, maxval=lim, dtype=jnp.float32)
    return {"x": x, "W": W, "b": b}


def _pairwise_dist(x):
    sq = (x ** 2).sum(axis=1)
    d2 = sq[:, None] + sq[None, :] - 2.0 * (x @ x.T)
    return jnp.sqrt(jnp.clip(d2, 0.0, None))


def _dbscan_discrete(x_emb):
    N = x_emb.shape[0]
    distances = _pairwise_dist(x_emb)
    neighbors = (distances <= EPS) & (~jnp.eye(N, dtype=bool))
    neighbor_counts = neighbors.sum(axis=1)
    core = neighbor_counts >= MIN_SAMPLES
    core_count = core.sum()
    conn = jnp.where(core[:, None] & core[None, :], neighbors, False).astype(jnp.float32)
    n_iter = jnp.minimum(10, core_count)

    def sq_body(i, c):
        return jnp.where(i < n_iter, jnp.clip(c @ c, 0.0, 1.0), c)

    conn = jax.lax.fori_loop(0, 10, sq_body, conn)

    def lbl_body(i, state):
        labels, visited, cur = state
        active = core[i] & (~visited[i])
        comp = conn[i] > 0
        comp_nb = jnp.any(neighbors & comp[:, None], axis=0)
        new_labels = jnp.where(comp | comp_nb, cur, labels)
        labels = jnp.where(active, new_labels, labels)
        visited = jnp.where(active, visited | comp, visited)
        cur = cur + jnp.where(active, jnp.int32(1), jnp.int32(0))
        return labels, visited, cur

    labels0 = jnp.full((N,), -1, dtype=jnp.int32)
    visited0 = jnp.zeros((N,), dtype=bool)
    labels, _, cur = jax.lax.fori_loop(0, N, lbl_body, (labels0, visited0, jnp.int32(0)))
    labels = jnp.where(core_count == 0, jnp.zeros((N,), dtype=jnp.int32), labels)
    ncf = jnp.where(core_count == 0, jnp.int32(1), cur)
    noise = labels == -1
    has_assigned = jnp.any(~noise)
    nd = jnp.where(noise[None, :], jnp.inf, distances)
    nearest = jnp.argmin(nd, axis=1)
    labels = jnp.where(noise & has_assigned, labels[nearest], labels)
    cnts = jnp.zeros((N + 1,), dtype=jnp.int32).at[labels + 1].add(1)
    vals = jnp.arange(-1, N, dtype=jnp.int32)
    order = jnp.argsort(-cnts, stable=True)
    num_uniq = jnp.sum(cnts > 0)
    k = jnp.minimum(N_CLUSTER, num_uniq)
    topk = vals[order]
    new = jnp.full((N,), -1, dtype=jnp.int32)
    for nid in range(N_CLUSTER):
        new = jnp.where((nid < k) & (labels == topk[nid]), jnp.int32(nid), new)
    un = new == -1
    ud = jnp.where(un[None, :], jnp.inf, distances)
    na = jnp.argmin(ud, axis=1)
    new = jnp.where(un, new[na], new)
    labels = jnp.where(ncf > N_CLUSTER, new, labels)
    ncf = jnp.minimum(ncf, jnp.int32(N_CLUSTER))
    return labels, ncf


def reference(x, W, b):
    xt = jnp.transpose(x, (0, 2, 1))  # [bs, n_vars, seq_len]
    x_emb = (xt @ W.T + b).reshape(-1, D_MODEL)  # [bs*n_vars, d_model]
    N = x_emb.shape[0]
    labels_j, ncf = _dbscan_discrete(x_emb)
    # cluster_assignments: one-hot over n_cluster (matches both torch branches)
    assignments = jax.nn.one_hot(labels_j, N_CLUSTER, dtype=jnp.float32)
    # cluster centers: labels lie in [0, ncf); columns >= ncf are empty, giving zero rows
    onehot = jax.nn.one_hot(jnp.clip(labels_j, 0, None), N_CLUSTER, dtype=jnp.float32)
    sizes = onehot.sum(axis=0)[:, None]
    centers_full = onehot.T @ x_emb / (sizes + 1e-10)
    cand_list = []
    for m in range(1, N_CLUSTER + 1):
        c = centers_full
        if m < N_CLUSTER:
            ri = jax.random.randint(jax.random.key(42), (N_CLUSTER - m,), 0, N)
            c = c.at[m:].set(x_emb[ri])
        cand_list.append(c)
    cands = jnp.stack(cand_list)
    centers = cands[ncf - 1]
    prob = assignments.reshape(BS, N_VARS, N_CLUSTER)
    return prob, centers, x_emb

if __name__ == "__main__":
    import jax
    _d = setup_inputs()
    print(jax.jit(kernel)(*tuple(_d.values())))

</pallas_src>

<mosaic_0001>
#map = affine_map<(d0, d1) -> (0, 0)>
#map1 = affine_map<(d0, d1) -> (0)>
module attributes {stable_mosaic.version = 14 : i64} {
  func.func @_sc_centers(%arg0: i32, %arg1: i32, %arg2: memref<1024x256xf32, #tpu.memory_space<hbm>>, %arg3: memref<8xi32, #tpu.memory_space<hbm>>, %arg4: memref<7x256xf32, #tpu.memory_space<hbm>>, %arg5: memref<8xi32, #tpu.memory_space<vmem>>, %arg6: memref<8x256xf32, #tpu.memory_space<vmem>>, %arg7: memref<!tpu.dma_semaphore, #tpu.memory_space<semaphore_mem>>) attributes {dimension_semantics = [#tpu.dimension_semantics<core_parallel>, #tpu.dimension_semantics<subcore_parallel>], iteration_bounds = array<i64: 1, 16>, scalar_prefetch = 0 : i64, scratch_operands = 3 : i64, tpu.core_type = #tpu.core_type<sc_vector_subcore>, window_params = [{transform_indices = #map}, {transform_indices = #map1}, {transform_indices = #map}]} {
    %eq3A = arith.constant 0 : i32
    %eq3A_0 = arith.cmpi eq, %arg0, %eq3A : i32
    %eq3A_1 = arith.constant 0 : i32
    %eq3A_2 = arith.cmpi eq, %arg1, %eq3A_1 : i32
    %and3A = arith.andi %eq3A_0, %eq3A_2 : i1
    %convert_element_type3A = arith.extui %and3A : i1 to i32
    %cond3A = arith.constant 0 : i32
    %cond3A_3 = arith.cmpi ne, %convert_element_type3A, %cond3A : i32
    scf.if %cond3A_3 {
      "tpu.region"() ({
        %run_scoped3A = tpu.sem_alloc : memref<!tpu.dma_semaphore, #tpu.memory_space<semaphore_mem>>
        tpu.enqueue_dma source(%arg3 : memref<8xi32, #tpu.memory_space<hbm>>) target(%arg5 : memref<8xi32, #tpu.memory_space<vmem>>) target_semaphore(%run_scoped3A : memref<!tpu.dma_semaphore, #tpu.memory_space<semaphore_mem>>)
        tpu.wait_dma2 semaphore(%run_scoped3A : memref<!tpu.dma_semaphore, #tpu.memory_space<semaphore_mem>>) src(%arg3 : memref<8xi32, #tpu.memory_space<hbm>>) dst(%arg5 : memref<8xi32, #tpu.memory_space<vmem>>)
        tpu.yield
      }) : () -> ()
      %dma_start3A = arith.constant 0 : i32
      %dma_start3A_4 = arith.constant 0 : i32
      %dma_start3A_5 = tpu.memref_slice %arg2[%dma_start3A, %dma_start3A_4] : memref<1024x256xf32, #tpu.memory_space<hbm>> -> memref<1024x256xf32, #tpu.memory_space<hbm>>
      tpu.enqueue_indirect_dma source(%dma_start3A_5 : memref<1024x256xf32, #tpu.memory_space<hbm>>) target(%arg6 : memref<8x256xf32, #tpu.memory_space<vmem>>) offsets(%arg5 : memref<8xi32, #tpu.memory_space<vmem>>) semaphore(%arg7 : memref<!tpu.dma_semaphore, #tpu.memory_space<semaphore_mem>>)
      %dma_wait3A = arith.constant 0 : i32
      %dma_wait3A_6 = arith.constant 0 : i32
      %dma_wait3A_7 = tpu.memref_slice %arg2[%dma_wait3A, %dma_wait3A_6] : memref<1024x256xf32, #tpu.memory_space<hbm>> -> memref<1024x256xf32, #tpu.memory_space<hbm>>
      tpu.wait_indirect_dma semaphore(%arg7 : memref<!tpu.dma_semaphore, #tpu.memory_space<semaphore_mem>>) src(%dma_wait3A_7 : memref<1024x256xf32, #tpu.memory_space<hbm>>) dst(%arg6 : memref<8x256xf32, #tpu.memory_space<vmem>>)
      "tpu.region"() ({
        %run_scoped3A = tpu.sem_alloc : memref<!tpu.dma_semaphore, #tpu.memory_space<semaphore_mem>>
        %dma_start3A_8 = arith.constant 0 : i32
        %dma_start3A_9 = arith.constant 0 : i32
        %dma_start3A_10 = tpu.memref_slice %arg6[%dma_start3A_8, %dma_start3A_9] : memref<8x256xf32, #tpu.memory_space<vmem>> -> memref<7x256xf32, #tpu.memory_space<vmem>>
        %dma_start3A_11 = arith.constant 0 : i32
        %dma_start3A_12 = arith.constant 0 : i32
        %dma_start3A_13 = tpu.memref_slice %arg6[%dma_start3A_11, %dma_start3A_12] : memref<8x256xf32, #tpu.memory_space<vmem>> -> memref<7x256xf32, #tpu.memory_space<vmem>>
        tpu.enqueue_dma source(%dma_start3A_13 : memref<7x256xf32, #tpu.memory_space<vmem>>) target(%arg4 : memref<7x256xf32, #tpu.memory_space<hbm>>) target_semaphore(%run_scoped3A : memref<!tpu.dma_semaphore, #tpu.memory_space<semaphore_mem>>)
        %dma_wait3A_14 = arith.constant 0 : i32
        %dma_wait3A_15 = arith.constant 0 : i32
        %dma_wait3A_16 = tpu.memref_slice %arg6[%dma_wait3A_14, %dma_wait3A_15] : memref<8x256xf32, #tpu.memory_space<vmem>> -> memref<7x256xf32, #tpu.memory_space<vmem>>
        %dma_wait3A_17 = arith.constant 0 : i32
        %dma_wait3A_18 = arith.constant 0 : i32
        %dma_wait3A_19 = tpu.memref_slice %arg6[%dma_wait3A_17, %dma_wait3A_18] : memref<8x256xf32, #tpu.memory_space<vmem>> -> memref<7x256xf32, #tpu.memory_space<vmem>>
        tpu.wait_dma2 semaphore(%run_scoped3A : memref<!tpu.dma_semaphore, #tpu.memory_space<semaphore_mem>>) src(%dma_wait3A_19 : memref<7x256xf32, #tpu.memory_space<vmem>>) dst(%arg4 : memref<7x256xf32, #tpu.memory_space<hbm>>)
        tpu.yield
      }) : () -> ()
    } else {
    }
    return
  }
}

module attributes {stable_mosaic.version = 14 : i64} {
  func.func @_fused_body(%arg0: memref<1024x512xf32, #tpu.memory_space<vmem>>, %arg1: memref<256x512xf32, #tpu.memory_space<vmem>>, %arg2: memref<1x256xf32, #tpu.memory_space<vmem>>, %arg3: memref<1024x256xf32, #tpu.memory_space<vmem>>, %arg4: memref<1x256xf32, #tpu.memory_space<vmem>>, %arg5: memref<1x1xi32, #tpu.memory_space<vmem>>, %arg6: memref<1024x8xf32, #tpu.memory_space<vmem>>) attributes {dimension_semantics = [], scalar_prefetch = 0 : i64, scratch_operands = 0 : i64, tpu.core_type = #tpu.core_type<tc>} {
    %get3A = arith.constant 0 : index
    %get3A_0 = arith.constant 0 : index
    %get3A_1 = vector.load %arg0[%get3A, %get3A_0] : memref<1024x512xf32, #tpu.memory_space<vmem>>, vector<1024x512xf32>
    %get3A_2 = arith.constant 0 : index
    %get3A_3 = arith.constant 0 : index
    %get3A_4 = vector.load %arg1[%get3A_2, %get3A_3] : memref<256x512xf32, #tpu.memory_space<vmem>>, vector<256x512xf32>
    %dot_general3A = arith.constant dense<0.000000e+00> : vector<1024x256xf32>
    %dot_general3A_5 = tpu.matmul %get3A_1, %get3A_4, %dot_general3A {dimension_numbers = #tpu.dot_dimension_numbers<[1], [1], [0], [0], [0, 0, 1, 0], [], []>, transpose_lhs_hint = false} : vector<1024x512xf32>, vector<256x512xf32>, vector<1024x256xf32> -> vector<1024x256xf32>
    %get3A_6 = arith.constant 0 : index
    %get3A_7 = arith.constant 0 : index
    %get3A_8 = vector.load %arg2[%get3A_6, %get3A_7] : memref<1x256xf32, #tpu.memory_space<vmem>>, vector<1x256xf32>
    %add3A = vector.broadcast %get3A_8 : vector<1x256xf32> to vector<1024x256xf32>
    %add3A_9 = arith.addf %dot_general3A_5, %add3A : vector<1024x256xf32>
    %swap3A = arith.constant 0 : index
    %swap3A_10 = arith.constant 0 : index
    %swap3A_11 = vector.load %arg3[%swap3A, %swap3A_10] : memref<1024x256xf32, #tpu.memory_space<vmem>>, vector<1024x256xf32>
    tpu.vector_store %arg3[%swap3A, %swap3A_10], %add3A_9 {strides = array<i32>} : memref<1024x256xf32, #tpu.memory_space<vmem>>, vector<1024x256xf32>,
    %reduce_sum3A = arith.constant dense<0.000000e+00> : vector<256xf32>
    %reduce_sum3A_12 = vector.multi_reduction <add>, %add3A_9, %reduce_sum3A [0] : vector<1024x256xf32> to vector<256xf32>
    %broadcast_in_dim3A = vector.shape_cast %reduce_sum3A_12 : vector<256xf32> to vector<1x256xf32>
    %mul3A = arith.constant 9.765625E-4 : f32
    %mul3A_13 = vector.broadcast %mul3A : f32 to vector<1x256xf32>
    %mul3A_14 = arith.mulf %broadcast_in_dim3A, %mul3A_13 : vector<1x256xf32>
    %swap3A_15 = arith.constant 0 : index
    %swap3A_16 = arith.constant 0 : index
    %swap3A_17 = vector.load %arg4[%swap3A_15, %swap3A_16] : memref<1x256xf32, #tpu.memory_space<vmem>>, vector<1x256xf32>
    tpu.vector_store %arg4[%swap3A_15, %swap3A_16], %mul3A_14 {strides = array<i32>} : memref<1x256xf32, #tpu.memory_space<vmem>>, vector<1x256xf32>,
    %mul3A_18 = arith.mulf %add3A_9, %add3A_9 : vector<1024x256xf32>
    %reduce_sum3A_19 = arith.constant dense<0.000000e+00> : vector<1024xf32>
    %reduce_sum3A_20 = vector.multi_reduction <add>, %mul3A_18, %reduce_sum3A_19 [1] : vector<1024x256xf32> to vector<1024xf32>
    %broadcast_in_dim3A_21 = vector.shape_cast %reduce_sum3A_20 : vector<1024xf32> to vector<1024x1xf32>
    %broadcast_in_dim3A_22 = arith.constant 1.000000e+00 : f32
    %broadcast_in_dim3A_23 = vector.broadcast %broadcast_in_dim3A_22 : f32 to vector<1x256xf32>
    %dot_general3A_24 = arith.constant dense<0.000000e+00> : vector<1x1024xf32>
    %dot_general3A_25 = tpu.matmul %broadcast_in_dim3A_23, %mul3A_18, %dot_general3A_24 {dimension_numbers = #tpu.dot_dimension_numbers<[1], [1], [0], [0], [0, 0, 1, 0], [], []>, transpose_lhs_hint = false} : vector<1x256xf32>, vector<1024x256xf32>, vector<1x1024xf32> -> vector<1x1024xf32>
    %dot_general3A_26 = arith.constant dense<0.000000e+00> : vector<1024x1024xf32>
    %dot_general3A_27 = tpu.matmul %add3A_9, %add3A_9, %dot_general3A_26 {dimension_numbers = #tpu.dot_dimension_numbers<[1], [1], [0], [0], [0, 0, 1, 0], [], []>, transpose_lhs_hint = false} : vector<1024x256xf32>, vector<1024x256xf32>, vector<1024x1024xf32> -> vector<1024x1024xf32>
    %add3A_28 = vector.broadcast %broadcast_in_dim3A_21 : vector<1024x1xf32> to vector<1024x1024xf32>
    %add3A_29 = vector.broadcast %dot_general3A_25 : vector<1x1024xf32> to vector<1024x1024xf32>
    %add3A_30 = arith.addf %add3A_28, %add3A_29 : vector<1024x1024xf32>
    %mul3A_31 = arith.constant 2.000000e+00 : f32
    %mul3A_32 = vector.broadcast %mul3A_31 : f32 to vector<1024x1024xf32>
    %mul3A_33 = arith.mulf %mul3A_32, %dot_general3A_27 : vector<1024x1024xf32>
    %sub3A = arith.subf %add3A_30, %mul3A_33 : vector<1024x1024xf32>
    %le3A = arith.constant 2.500000e-01 : f32
    %le3A_34 = vector.broadcast %le3A : f32 to vector<1024x1024xf32>
    %le3A_35 = arith.cmpf ole, %sub3A, %le3A_34 : vector<1024x1024xf32>
    %convert_element_type3A = arith.extui %le3A_35 : vector<1024x1024xi1> to vector<1024x1024xi32>
    %reduce_sum3A_36 = arith.constant dense<0> : vector<1024xi32>
    %reduce_sum3A_37 = vector.multi_reduction <add>, %convert_element_type3A, %reduce_sum3A_36 [1] : vector<1024x1024xi32> to vector<1024xi32>
    %broadcast_in_dim3A_38 = vector.shape_cast %reduce_sum3A_37 : vector<1024xi32> to vector<1024x1xi32>
    %sub3A_39 = arith.constant 1 : i32
    %sub3A_40 = vector.broadcast %sub3A_39 : i32 to vector<1024x1xi32>
    %sub3A_41 = arith.subi %broadcast_in_dim3A_38, %sub3A_40 : vector<1024x1xi32>
    %ge3A = arith.constant 5 : i32
    %ge3A_42 = vector.broadcast %ge3A : i32 to vector<1024x1xi32>
    %ge3A_43 = arith.cmpi sge, %sub3A_41, %ge3A_42 : vector<1024x1xi32>
    %convert_element_type3A_44 = arith.extui %ge3A_43 : vector<1024x1xi1> to vector<1024x1xi32>
    %reduce_sum3A_45 = vector.shape_cast %convert_element_type3A_44 : vector<1024x1xi32> to vector<1x1024x1xi32>
    %reduce_sum3A_46 = arith.constant dense<0> : vector<1xi32>
    %reduce_sum3A_47 = vector.multi_reduction <add>, %reduce_sum3A_45, %reduce_sum3A_46 [1, 2] : vector<1x1024x1xi32> to vector<1xi32>
    %reduce_sum3A_48 = vector.shape_cast %reduce_sum3A_47 : vector<1xi32> to vector<1x1x1xi32>
    %reduce_sum3A_49 = vector.extract %reduce_sum3A_48[0, 0, 0] : i32 from vector<1x1x1xi32>
    %broadcast_in_dim3A_50 = vector.broadcast %reduce_sum3A_49 : i32 to vector<1x1xi32>
    %swap3A_51 = arith.constant 0 : index
    %swap3A_52 = arith.constant 0 : index
    %swap3A_53 = vector.load %arg5[%swap3A_51, %swap3A_52] : memref<1x1xi32, #tpu.memory_space<vmem>>, vector<1x1xi32>
    tpu.vector_store %arg5[%swap3A_51, %swap3A_52], %broadcast_in_dim3A_50 {strides = array<i32>} : memref<1x1xi32, #tpu.memory_space<vmem>>, vector<1x1xi32>,
    %iota3A = tpu.iota {dimensions = array<i32: 1>} : vector<1024x8xi32>
    %eq3A = arith.constant 0 : i32
    %eq3A_54 = vector.broadcast %eq3A : i32 to vector<1024x8xi32>
    %eq3A_55 = arith.cmpi eq, %iota3A, %eq3A_54 : vector<1024x8xi32>
    %convert_element_type3A_56 = arith.extui %eq3A_55 : vector<1024x8xi1> to vector<1024x8xi32>
    %convert_element_type3A_57 = arith.sitofp %convert_element_type3A_56 : vector<1024x8xi32> to vector<1024x8xf32>
    %swap3A_58 = arith.constant 0 : index
    %swap3A_59 = arith.constant 0 : index
    %swap3A_60 = vector.load %arg6[%swap3A_58, %swap3A_59] : memref<1024x8xf32, #tpu.memory_space<vmem>>, vector<1024x8xf32>
    tpu.vector_store %arg6[%swap3A_58, %swap3A_59], %convert_element_type3A_57 {strides = array<i32>} : memref<1024x8xf32, #tpu.memory_space<vmem>>, vector<1024x8xf32>,
    return
  }
}

</mosaic_0001>

<sc_bundles>
// kernel: kernel.4.cloned.1.call-start
scs
__scs_entry_jumppad:
0x0: {  	(pc) =	sbr.rel $0x88, $3  }
0x1: {  	(tag) =	ssettag $0x0;
	lr =	simm.s32 $0x1  }
0x2: {  	[smem:$0x3F9E] =	sst lr;
	_ =	strace $0xD0000000  }
0x3: {  	_ = 	snop  }
0x4: {  	_ = 	snop  }
0x5: {  	_ = 	snop  }
0x6: {  	_ = 	snop  }
0x7: {  	_ = 	snop  }
__scs_overlays_trampoline_lowered:
0x8: {  	[smem:$0x3FAD] =	sst s0  }
0x9: {  	[smem:$0x3FAE] =	sst s1  }
0xa: {  	[smem:$0x3FAF] =	sst s2  }
0xb: {  	[smem:$0x3FB0] =	sst s3  }
0xc: {  	[smem:$0x3FB1] =	sst s4  }
0xd: {  	[smem:$0x3FB2] =	sst s5  }
0xe: {  	[smem:$0x3FB3] =	sst s6  }
0xf: {  	[smem:$0x3FB4] =	sst s7  }
0x10: {  	[smem:$0x3FB5] =	sst s8  }
0x11: {  	[smem:$0x3FB6] =	sst s9;
	s0 =	simm.s32 @!p0 $0x0  }
0x12: {  	s1 =	sld [smem:$0x3F9C];
	s0 =	simm.s32 @p0 $0x1  }
0x13: {  	[smem:$0x3FB7] =	sst s0;
	s0 =	simm.s32 @!p1 $0x0  }
0x14: {  	s2 =	sld [smem:$0x3F9B];
	s0 =	simm.s32 @p1 $0x1  }
0x15: {  	[smem:$0x3FB8] =	sst s0;
	s0 =	simm.s32 @!p2 $0x0  }
0x16: {  	s3 =	sld [smem:$0x3FDB];
	s0 =	simm.s32 @p2 $0x1  }
0x17: {  	s4 =	simm.s32 $0x1BF5;
	[smem:$0x3FBA] =	sst s0  }
0x18: {  	s0 =	sld [smem:$0x3F9D];
	_ =	swait.ge [sflag:s4], $0x0  }
0x19: {  	s7 =	sld [smem:$0x3F9E]  }
0x1a: {  	s8 =	sadd.s32 $0xFFFFE003, lr  }
0x1b: {  	s9 =	sadd.s32 $0xFFFFFEF7, lr;
	s5 =	simm.s32 $0xFFFFFFFF;
	p2 =	slt.u32 s8, $0xFFFFF086  }
0x1c: {  	p1 =	slt.u32 s9, $0xF7A;
	s5 =	simm.s32 @!p2 $0x0  }
0x1d: {  	s5 =	simm.s32 @p1 $0x1;
	p0 =	seq.s32 s7, s2  }
0x1e: {  	s7 =	smul.u32 @!p0 $0xF7A, s2;
	p2 =	seq.s32 @!p0 s5, $0x0  }
0x1f: {  	s9 =	smul.u32 $0xF7A, s1;
	s8 =	simm.s32 @!p0 $0x1BF5;
	p2 =	por !p2, p0  }
0x20: {  	[sflag:s8] =	ssyncset.s32 @!p0 $0xFFFFF086;
	s6 =	sadd.s32 @!p0 s3, s7;
	s7 =	simm.s32 @!p0 $0x108  }
0x21: {  	s3 =	sadd.s32 s3, s9;
	s6 =	sadd.s32 @!p0 $0x88, s6;
	s7 =	simm.s32 @p2 $0x1082  }
0x22: {  	[simem:s7], [sflag:s8] =	dma.local @!p0 [hbm:s6], $0xF7A  }
0x23: {  	s9 =	sor.u32 $0xD0000000, s2;
	s6 =	simm.s32 $0x108;
	_ =	swait.ge @!p0 [sflag:s8], $0x0  }
0x24: {  	s3 =	sadd.s32 $0x88, s3;
	s6 =	simm.s32 @!p1 $0x1082;
	[sflag:s4] =	ssyncset.s32 $0xFFFFF086  }
0x25: {  	[simem:s6], [sflag:s4] =	dma.local [hbm:s3], $0xF7A  }
0x26: {  	[smem:$0x3F9E] =	sst s1;
	(tag) =	ssettag s2;
	_ =	strace s9  }
0x27: {  	s1 =	sld [smem:$0x3FAE]  }
0x28: {  	s2 =	sld [smem:$0x3FAF]  }
0x29: {  	s4 =	sld [smem:$0x3FB1]  }
0x2a: {  	p0 =	seq.s32 s5, $0x0;
	s5 =	sld [smem:$0x3FB2]  }
0x2b: {  	s6 =	sld [smem:$0x3FB3]  }
0x2c: {  	s7 =	sld [smem:$0x3FB4]  }
0x2d: {  	s3 =	simm.s32 $0x108;
	s8 =	sld [smem:$0x3FB5]  }
0x2e: {  	s3 =	simm.s32 @!p0 $0x1082;
	s9 =	sld [smem:$0x3FB6]  }
0x2f: {  	lr =	sadd.s32 s0, s3;
	s0 =	sld [smem:$0x3FAD]  }
0x30: {  	s3 =	sld [smem:$0x3FB0]  }
0x31: {  	[smem:$0x3FB9] =	sst s10  }
0x32: {  	s10 =	sld [smem:$0x3FB7];
	_ =	sdelay $0x3  }
0x33: {  	p0 =	seq.s32 s10, $0x1;
	s10 =	sld [smem:$0x3FB9];
	_ =	sdelay $0x3  }
0x34: {  	[smem:$0x3FB9] =	sst s10  }
0x35: {  	s10 =	sld [smem:$0x3FB8];
	_ =	sdelay $0x3  }
0x36: {  	p1 =	seq.s32 s10, $0x1;
	s10 =	sld [smem:$0x3FB9];
	_ =	sdelay $0x3  }
0x37: {  	[smem:$0x3FB9] =	sst s10  }
0x38: {  	s10 =	sld [smem:$0x3FBA]  }
0x39: {  	_ = 	snop;
	(pc) =	sbr.ind lr, $3  }
0x3a: {  	_ = 	snop  }
0x3b: {  	_ = 	snop  }
0x3c: {  	p2 =	seq.s32 s10, $0x1;
	s10 =	sld [smem:$0x3FB9]  }
0x3d: {  	_ =	shalt  }
0x3e: {  	_ =	shalt  }
0x3f: {  	_ =	shalt  }
0x40: {  	_ =	shalt  }
0x41: {  	_ =	shalt  }
0x42: {  	_ =	shalt  }
0x43: {  	_ =	shalt  }
0x44: {  	_ =	shalt  }
0x45: {  	_ =	shalt  }
0x46: {  	_ =	shalt  }
0x47: {  	_ =	shalt  }
0x48: {  	_ =	shalt  }
0x49: {  	_ =	shalt  }
0x4a: {  	_ =	shalt  }
0x4b: {  	_ =	shalt  }
0x4c: {  	_ =	shalt  }
0x4d: {  	_ =	shalt  }
0x4e: {  	_ =	shalt  }
0x4f: {  	_ =	shalt  }
0x50: {  	_ =	shalt  }
0x51: {  	_ =	shalt  }
0x52: {  	_ =	shalt  }
0x53: {  	_ =	shalt  }
0x54: {  	_ =	shalt  }
0x55: {  	_ =	shalt  }
0x56: {  	_ =	shalt  }
0x57: {  	_ =	shalt  }
0x58: {  	_ =	shalt  }
0x59: {  	_ =	shalt  }
0x5a: {  	_ =	shalt  }
0x5b: {  	_ =	shalt  }
0x5c: {  	_ =	shalt  }
0x5d: {  	_ =	shalt  }
0x5e: {  	_ =	shalt  }
0x5f: {  	_ =	shalt  }
0x60: {  	_ =	shalt  }
0x61: {  	_ =	shalt  }
0x62: {  	_ =	shalt  }
0x63: {  	_ =	shalt  }
0x64: {  	_ =	shalt  }
0x65: {  	_ =	shalt  }
0x66: {  	_ =	shalt  }
0x67: {  	_ =	shalt  }
0x68: {  	_ =	shalt  }
0x69: {  	_ =	shalt  }
0x6a: {  	_ =	shalt  }
0x6b: {  	_ =	shalt  }
0x6c: {  	_ =	shalt  }
0x6d: {  	_ =	shalt  }
0x6e: {  	_ =	shalt  }
0x6f: {  	_ =	shalt  }
0x70: {  	_ =	shalt  }
0x71: {  	_ =	shalt  }
0x72: {  	_ =	shalt  }
0x73: {  	_ =	shalt  }
0x74: {  	_ =	shalt  }
0x75: {  	_ =	shalt  }
0x76: {  	_ =	shalt  }
0x77: {  	_ =	shalt  }
0x78: {  	_ =	shalt  }
0x79: {  	_ =	shalt  }
0x7a: {  	_ =	shalt  }
0x7b: {  	_ =	shalt  }
0x7c: {  	_ =	shalt  }
0x7d: {  	_ =	shalt  }
0x7e: {  	_ =	shalt  }
0x7f: {  	_ =	shalt  }
0x80: {  	_ =	shalt  }
0x81: {  	_ =	shalt  }
0x82: {  	_ =	shalt  }
0x83: {  	_ =	shalt  }
0x84: {  	_ =	shalt  }
0x85: {  	_ =	shalt  }
0x86: {  	_ =	shalt  }
0x87: {  	_ =	shalt  }
.Lfunc_end0:
.L_simem_size_0:
called_computation.1_lowered:
.L_overlay_start_0:
0x88: {  	s0 =	sld [smem:$0x3FD9]  }
0x89: {  	s1 =	sld [smem:$0x3FFE];
	_ =	sdelay $0x3  }
0x8a: {  	s0 =	sadd.s32 s1, s0  }
0x8b: {  	[smem:$0x3FC5] =	sst s0  }
0x8c: {  	_ = 	snop  }
0x8d: {  	s0 =	sld [smem:$0x3FD0];
	_ =	sdelay $0x2  }
0x8e: {  	s13 =	simm.s32 $0xB;
	s2 =	simm.s32 $0x10  }
0x8f: {  	[smem:s2], [sflag:s13] =	dma.local [hbm:s0], $0x1  }
0x90: {  	_ =	swait.eq [sflag:s13], $0x1  }
0x91: {  	[sflag:s13] =	ssyncset.done $0x0  }
0x92: {  	[sflag:s13] =	ssyncadd.s32 $0xFFFFFFFF  }
0x93: {  	s14 =	sld [smem:$0x12];
	(tm) =	ssettm $0x1  }
0x94: {  	s15 =	sld [smem:$0x3FFB];
	_ =	sdelay $0x3  }
0x95: {  	_ =	strace s15  }
0x96: {  	s1 =	sld [smem:$0x3FFC];
	_ =	sdelay $0x3  }
0x97: {  	_ =	strace s1  }
0x98: {  	s1 =	sld [smem:$0x3FFD];
	_ =	sdelay $0x3  }
0x99: {  	_ =	strace s1  }
0x9a: {  	_ =	strace $0x8FFFFFFF  }
0x9b: {  	s16 =	sld [smem:$0x3FDB];
	_ =	sdelay $0x1  }
0x9c: {  	s17 =	simm.s32 $_scs_section_size  }
0x9d: {  	s3 =	simm.s32 $_size__tile_overlayer_lowered;
	s4 =	simm.s32 $_tile_overlayer_lowered  }
0x9e: {  	s20 =	simm.s32 $0x1BFF;
	s19 =	sshll.u32 s4, $0x1;
	s1 =	sadd.s32 s17, s16  }
0x9f: {  	s5 =	simm.s32 $0x0;
	s18 =	sshll.u32 s3, $0x1;
	s3 =	sadd.s32 s19, s1  }
0xa0: {  	[timem:s5], [sflag:s20] =	dma.local [hbm:s3], s18  }
0xa1: {  	_ =	swait.ge [sflag:s20], s18  }
0xa2: {  	s2 =	ssub.s32 $0x0, s18;
	[sflag:s20] =	ssyncset.done $0x0  }
0xa3: {  	[sflag:s20] =	ssyncadd.s32 s2;
	_ =	sdelay $0x1  }
0xa4: {  	s21 =	simm.s32 $0x1B8B  }
0xa5: {  	_ =	swait.ge [sflag:s21], $0x1  }
0xa6: {  	[sflag:s21] =	ssyncset.done $0x0  }
0xa7: {  	s23 =	simm.s32 $0x1B8E;
	s22 =	sld [smem:$0x3FFE];
	[sflag:s21] =	ssyncadd.s32 $0xFFFFFFFF  }
0xa8: {  	s24 =	simm.s32 $execute0_lowered;
	[smem:$0x3FD2] =	sst s23  }
0xa9: {  	s3 =	sshll.u32 s24, $0x1;
	_ =	strace $0x80000049;
	[dreg:$0x1] =	wrdreg $0xFFFFFFFF  }
0xaa: {  	s25 =	simm.s32 $_size_execute0_lowered;
	s1 =	sadd.s32 s1, s3;
	[dreg:$0x0] =	wrdreg $0x0  }
0xab: {  	s3 =	sshll.u32 s25, $0x1;
	[dreg:$0x2] =	wrdreg s1  }
0xac: {  	[dreg:$0x3] =	wrdreg s3  }
0xad: {  	[dreg:$0x4] =	wrdreg $0xC0  }
0xae: {  	_ =	task [dreg:s5], $0x5FFFF  }
0xaf: {  	[dreg:$0x1] =	wrdreg $0xFFFFFFFF  }
0xb0: {  	[dreg:$0x0] =	wrdreg $0x60  }
0xb1: {  	[dreg:$0x2] =	wrdreg s14  }
0xb2: {  	[dreg:$0x3] =	wrdreg s22  }
0xb3: {  	[dreg:$0x4] =	wrdreg $0x9  }
0xb4: {  	_ =	task.clear_ibuf [dreg:s5], $0x5FFFF;
	_ =	strace $0x90000049  }
0xb5: {  	s26 =	simm.s32 $0x9;
	_ =	strace $0x8000004B  }
0xb6: {  	_ =	swait.ge [sflag:s26], $0x1  }
0xb7: {  	[sflag:s26] =	ssyncadd.s32 $0xFFFFFFFF  }
0xb8: {  	_ =	strace $0x9000004B  }
0xb9: {  	_ =	sfence  }
0xba: {  	s28 =	sld [smem:$0x0];
	_ =	sdelay $0x1  }
0xbb: {  	s29 =	srdreg.scid  }
0xbc: {  	s30 =	sshll.u32 s29, $0xD;
	s31 =	sshrl.u32 s29, $0x2  }
0xbd: {  	s2 =	sand.u32 $0x4000, s30;
	s1 =	sand.u32 $0x1, s29;
	s0 =	sadd.s32 s31, s28  }
0xbe: {  	s1 =	sor.u32 s2, s1;
	s0 =	sshll.u32 s0, $0x11  }
0xbf: {  	s0 =	sor.u32 s0, s1  }
0xc0: {  	s0 =	sadd.s32 $0x8F2B, s0  }
0xc1: {  	[sflag:s0] =	ssyncadd.remote.s32 $0x1  }
0xc2: {  	_ =	sfence.sel $0xFFFF  }
0xc3: {  	[dreg:$0x0] =	wrdreg $0xFFFFFFFF;
	(pc) =	sbr.abs _section_cstart, $3  }
0xc4: {  	[dreg:$0x1] =	wrdreg $0xFFFFFFFF  }
0xc5: {  	_ =	task.clear_ibuf [dreg:s5], $0x2FFFF;
	_ =	strace $0x9FFFFFFF  }
0xc6: {  	(tm) =	ssettm $0x7FFFFFFF  }
0xc7: {  	_ =	shalt  }
tec
execute0_lowered:
.L_overlay_start_1:
0x0: {  	(tag) =	ssettag $0x1  }
0x1: {  	s0 =	rddreg [dreg:$0x0]  }
0x2: {  	s1 =	rddreg [dreg:$0x1];
	s3 =	simm.s32 $0x0  }
0x3: {  	s31 =	stileid.u32;
	[smem:$0x7FF] =	sst s3  }
0x4: {  	s2 =	rddreg [dreg:$0x2];
	p0 =	sne.s32 s31, $0x0;
	_ =	strace $0x8000004A  }
0x5: {  	_ =	sfence.sel @p0 $0x180000  }
0x6: {  	[bflag:$0x0] =	sbarrier.arrive @p0 $0xFFFF  }
0x7: {  	_ =	strace @p0 $0x9000004A  }
0x8: {  	s3 =	simm.s32 @!p0 $0x0;
	s4 =	simm.s32 @!p0 $0x2;
	[bflag:$0x2] =	sbarrier.arrive @p0 $0xFFFF  }
0x9: {  	[tilespmem:s3], [sflag:$0x2] =	stream.linear.gather @!p0 [hbm4b:s1+s3], $0x80, $0x38;
	[tilespmem:$0x880] =	vst v63  }
0xa: {  	_ =	swait.ge @!p0 [sflag:s4], $0x80  }
0xb: {  	[sflag:s4] =	ssyncset.done @!p0 $0x0  }
0xc: {  	[sflag:s4] =	ssyncadd.s32 @!p0 $0xFFFFFF80  }
0xd: {  	v0 =	vld.msk @!p0 [tilespmem:$0x0], $0xff;
	_ =	sdelay $0x4  }
0xe: {  	v1 =	vshll.u32 @!p0 v0, $0x1  }
0xf: {  	v2 =	vlaneseq.u32 @!p0;
	v0 =	vand.u32 @!p0 $0x7, v0;
	v1 =	vand.u32 @!p0 $0xFFFFFFF0, v1  }
0x10: {  	v0 =	vor.u32 @!p0 v0, v1;
	v1 =	vand.u32 @!p0 $0x7, v2;
	v2 =	vshrl.u32 @!p0 v2, $0x3  }
0x11: {  	v0 =	vperm.xlane @!p0 v0, v1;
	v1 =	vmul.u32 @!p0 $0x8, v2;
	_ =	sdelay $0x1  }
0x12: {  	v0 =	vadd.s32 @!p0 v1, v0;
	_ =	sdelay $0x3  }
0x13: {  	vm0 =	vmmov @!p0 $0xffff;
	s5 =	simm.s32 @!p0 $0x80  }
0x14: {  	[tilespmem:s5], [sflag:$0x1] =	stream.indirect_vreg.gather @!p0 [hbm4b:s0+s3], $0x80, v0, vm0, $0xb8;
	[tilespmem:$0x880] =	vst v63  }
0x15: {  	s0 =	simm.s32 @!p0 $0x1  }
0x16: {  	_ =	swait.ge @!p0 [sflag:s0], $0x800  }
0x17: {  	[sflag:s0] =	ssyncset.done @!p0 $0x0  }
0x18: {  	s1 =	sadd.s32 $0x200, s1;
	[sflag:s0] =	ssyncadd.s32 @!p0 $0xFFFFF800  }
0x19: {  	[hbm4b:s1+s3] =	stream.linear.scatter @!p0 [tilespmem:s5], [sflag:$0x2], $0x380, $0x38;
	[tilespmem:$0x880] =	vst v63  }
0x1a: {  	s0 =	sadd.s32 @!p0 $0x80, s1;
	s1 =	simm.s32 @!p0 $0x480  }
0x1b: {  	[hbm4b:s0+s3] =	stream.linear.scatter @!p0 [tilespmem:s1], [sflag:$0x2], $0x380, $0x38;
	[tilespmem:$0x880] =	vst v63  }
0x1c: {  	_ =	swait.ge @!p0 [sflag:s4], $0x700  }
0x1d: {  	[sflag:s4] =	ssyncset.done @!p0 $0x0  }
0x1e: {  	[sflag:s4] =	ssyncadd.s32 @!p0 $0xFFFFF900  }
0x1f: {  	_ =	sfence.sel @!p0 $0x180000  }
0x20: {  	[bflag:$0x0] =	sbarrier.arrive @!p0 $0xFFFF  }
0x21: {  	_ =	strace @!p0 $0x9000004A  }
0x22: {  	s0 =	sadd.s32 @!p0 $0x100000, s2;
	[bflag:$0x2] =	sbarrier.arrive @!p0 $0xFFFF  }
0x23: {  	[sflag:s0] =	ssyncadd.tile.s32 @!p0 $0x1;
	_ =	shalt  }
.Lfunc_end2:
_tile_overlayer_lowered:
.L_overlay_start_2:
0x24: {  	(tag) =	ssettag $0x2  }
0x25: {  	s0 =	rddreg [dreg:$0x0];
	s2 =	stileid.u32  }
0x26: {  	s1 =	rddreg [dreg:$0x1];
	p0 =	sne.s32 s2, $0x0  }
0x27: {  	s3 =	rddreg [dreg:$0x2];
	[bflag:$0x3] =	sbarrier.arrive $0xFFFF;
	s2 =	simm.s32 @!p0 $0x1C02  }
0x28: {  	[timem:s3], [sflag:s2] =	dma.local @!p0 [hbm:s0], s1  }
0x29: {  	s0 =	simm.s32 @!p0 $0x2  }
0x2a: {  	_ =	swait.ge @!p0 [sflag:s0], s1  }
0x2b: {  	s1 =	ssub.s32 @!p0 $0x0, s1;
	[sflag:s0] =	ssyncset.done @!p0 $0x0  }
0x2c: {  	[sflag:s0] =	ssyncadd.s32 @!p0 s1  }
0x2d: {  	[bflag:$0x3] =	sbarrier.arrive $0xFFFF  }
0x2e: {  	_ =	shalt  }

// kernel: scatter_offload_async_start
scs
__scs_entry_jumppad:
0x0: {  	(pc) =	sbr.rel $0x88, $3  }
0x1: {  	(tag) =	ssettag $0x0;
	lr =	simm.s32 $0x1  }
0x2: {  	[smem:$0x3F9E] =	sst lr;
	_ =	strace $0xD0000000  }
0x3: {  	_ = 	snop  }
0x4: {  	_ = 	snop  }
0x5: {  	_ = 	snop  }
0x6: {  	_ = 	snop  }
0x7: {  	_ = 	snop  }
__scs_overlays_trampoline_lowered:
0x8: {  	[smem:$0x3FAD] =	sst s0  }
0x9: {  	[smem:$0x3FAE] =	sst s1  }
0xa: {  	[smem:$0x3FAF] =	sst s2  }
0xb: {  	[smem:$0x3FB0] =	sst s3  }
0xc: {  	[smem:$0x3FB1] =	sst s4  }
0xd: {  	[smem:$0x3FB2] =	sst s5  }
0xe: {  	[smem:$0x3FB3] =	sst s6  }
0xf: {  	[smem:$0x3FB4] =	sst s7  }
0x10: {  	[smem:$0x3FB5] =	sst s8  }
0x11: {  	[smem:$0x3FB6] =	sst s9;
	s0 =	simm.s32 @!p0 $0x0  }
0x12: {  	s1 =	sld [smem:$0x3F9C];
	s0 =	simm.s32 @p0 $0x1  }
0x13: {  	[smem:$0x3FB7] =	sst s0;
	s0 =	simm.s32 @!p1 $0x0  }
0x14: {  	s2 =	sld [smem:$0x3F9B];
	s0 =	simm.s32 @p1 $0x1  }
0x15: {  	[smem:$0x3FB8] =	sst s0;
	s0 =	simm.s32 @!p2 $0x0  }
0x16: {  	s3 =	sld [smem:$0x3FDB];
	s0 =	simm.s32 @p2 $0x1  }
0x17: {  	s4 =	simm.s32 $0x1BF5;
	[smem:$0x3FBA] =	sst s0  }
0x18: {  	s0 =	sld [smem:$0x3F9D];
	_ =	swait.ge [sflag:s4], $0x0  }
0x19: {  	s7 =	sld [smem:$0x3F9E]  }
0x1a: {  	s8 =	sadd.s32 $0xFFFFE003, lr  }
0x1b: {  	s9 =	sadd.s32 $0xFFFFFEF7, lr;
	s5 =	simm.s32 $0xFFFFFFFF;
	p2 =	slt.u32 s8, $0xFFFFF086  }
0x1c: {  	p1 =	slt.u32 s9, $0xF7A;
	s5 =	simm.s32 @!p2 $0x0  }
0x1d: {  	s5 =	simm.s32 @p1 $0x1;
	p0 =	seq.s32 s7, s2  }
0x1e: {  	s7 =	smul.u32 @!p0 $0xF7A, s2;
	p2 =	seq.s32 @!p0 s5, $0x0  }
0x1f: {  	s9 =	smul.u32 $0xF7A, s1;
	s8 =	simm.s32 @!p0 $0x1BF5;
	p2 =	por !p2, p0  }
0x20: {  	[sflag:s8] =	ssyncset.s32 @!p0 $0xFFFFF086;
	s6 =	sadd.s32 @!p0 s3, s7;
	s7 =	simm.s32 @!p0 $0x108  }
0x21: {  	s3 =	sadd.s32 s3, s9;
	s6 =	sadd.s32 @!p0 $0x88, s6;
	s7 =	simm.s32 @p2 $0x1082  }
0x22: {  	[simem:s7], [sflag:s8] =	dma.local @!p0 [hbm:s6], $0xF7A  }
0x23: {  	s9 =	sor.u32 $0xD0000000, s2;
	s6 =	simm.s32 $0x108;
	_ =	swait.ge @!p0 [sflag:s8], $0x0  }
0x24: {  	s3 =	sadd.s32 $0x88, s3;
	s6 =	simm.s32 @!p1 $0x1082;
	[sflag:s4] =	ssyncset.s32 $0xFFFFF086  }
0x25: {  	[simem:s6], [sflag:s4] =	dma.local [hbm:s3], $0xF7A  }
0x26: {  	[smem:$0x3F9E] =	sst s1;
	(tag) =	ssettag s2;
	_ =	strace s9  }
0x27: {  	s1 =	sld [smem:$0x3FAE]  }
0x28: {  	s2 =	sld [smem:$0x3FAF]  }
0x29: {  	s4 =	sld [smem:$0x3FB1]  }
0x2a: {  	p0 =	seq.s32 s5, $0x0;
	s5 =	sld [smem:$0x3FB2]  }
0x2b: {  	s6 =	sld [smem:$0x3FB3]  }
0x2c: {  	s7 =	sld [smem:$0x3FB4]  }
0x2d: {  	s3 =	simm.s32 $0x108;
	s8 =	sld [smem:$0x3FB5]  }
0x2e: {  	s3 =	simm.s32 @!p0 $0x1082;
	s9 =	sld [smem:$0x3FB6]  }
0x2f: {  	lr =	sadd.s32 s0, s3;
	s0 =	sld [smem:$0x3FAD]  }
0x30: {  	s3 =	sld [smem:$0x3FB0]  }
0x31: {  	[smem:$0x3FB9] =	sst s10  }
0x32: {  	s10 =	sld [smem:$0x3FB7];
	_ =	sdelay $0x3  }
0x33: {  	p0 =	seq.s32 s10, $0x1;
	s10 =	sld [smem:$0x3FB9];
	_ =	sdelay $0x3  }
0x34: {  	[smem:$0x3FB9] =	sst s10  }
0x35: {  	s10 =	sld [smem:$0x3FB8];
	_ =	sdelay $0x3  }
0x36: {  	p1 =	seq.s32 s10, $0x1;
	s10 =	sld [smem:$0x3FB9];
	_ =	sdelay $0x3  }
0x37: {  	[smem:$0x3FB9] =	sst s10  }
0x38: {  	s10 =	sld [smem:$0x3FBA]  }
0x39: {  	_ = 	snop;
	(pc) =	sbr.ind lr, $3  }
0x3a: {  	_ = 	snop  }
0x3b: {  	_ = 	snop  }
0x3c: {  	p2 =	seq.s32 s10, $0x1;
	s10 =	sld [smem:$0x3FB9]  }
0x3d: {  	_ =	shalt  }
0x3e: {  	_ =	shalt  }
0x3f: {  	_ =	shalt  }
0x40: {  	_ =	shalt  }
0x41: {  	_ =	shalt  }
0x42: {  	_ =	shalt  }
0x43: {  	_ =	shalt  }
0x44: {  	_ =	shalt  }
0x45: {  	_ =	shalt  }
0x46: {  	_ =	shalt  }
0x47: {  	_ =	shalt  }
0x48: {  	_ =	shalt  }
0x49: {  	_ =	shalt  }
0x4a: {  	_ =	shalt  }
0x4b: {  	_ =	shalt  }
0x4c: {  	_ =	shalt  }
0x4d: {  	_ =	shalt  }
0x4e: {  	_ =	shalt  }
0x4f: {  	_ =	shalt  }
0x50: {  	_ =	shalt  }
0x51: {  	_ =	shalt  }
0x52: {  	_ =	shalt  }
0x53: {  	_ =	shalt  }
0x54: {  	_ =	shalt  }
0x55: {  	_ =	shalt  }
0x56: {  	_ =	shalt  }
0x57: {  	_ =	shalt  }
0x58: {  	_ =	shalt  }
0x59: {  	_ =	shalt  }
0x5a: {  	_ =	shalt  }
0x5b: {  	_ =	shalt  }
0x5c: {  	_ =	shalt  }
0x5d: {  	_ =	shalt  }
0x5e: {  	_ =	shalt  }
0x5f: {  	_ =	shalt  }
0x60: {  	_ =	shalt  }
0x61: {  	_ =	shalt  }
0x62: {  	_ =	shalt  }
0x63: {  	_ =	shalt  }
0x64: {  	_ =	shalt  }
0x65: {  	_ =	shalt  }
0x66: {  	_ =	shalt  }
0x67: {  	_ =	shalt  }
0x68: {  	_ =	shalt  }
0x69: {  	_ =	shalt  }
0x6a: {  	_ =	shalt  }
0x6b: {  	_ =	shalt  }
0x6c: {  	_ =	shalt  }
0x6d: {  	_ =	shalt  }
0x6e: {  	_ =	shalt  }
0x6f: {  	_ =	shalt  }
0x70: {  	_ =	shalt  }
0x71: {  	_ =	shalt  }
0x72: {  	_ =	shalt  }
0x73: {  	_ =	shalt  }
0x74: {  	_ =	shalt  }
0x75: {  	_ =	shalt  }
0x76: {  	_ =	shalt  }
0x77: {  	_ =	shalt  }
0x78: {  	_ =	shalt  }
0x79: {  	_ =	shalt  }
0x7a: {  	_ =	shalt  }
0x7b: {  	_ =	shalt  }
0x7c: {  	_ =	shalt  }
0x7d: {  	_ =	shalt  }
0x7e: {  	_ =	shalt  }
0x7f: {  	_ =	shalt  }
0x80: {  	_ =	shalt  }
0x81: {  	_ =	shalt  }
0x82: {  	_ =	shalt  }
0x83: {  	_ =	shalt  }
0x84: {  	_ =	shalt  }
0x85: {  	_ =	shalt  }
0x86: {  	_ =	shalt  }
0x87: {  	_ =	shalt  }
.Lfunc_end0:
.L_simem_size_0:
called_computation_lowered:
.L_overlay_start_0:
0x88: {  	s0 =	sld [smem:$0x3FD9]  }
0x89: {  	s1 =	sld [smem:$0x3FFE];
	_ =	sdelay $0x3  }
0x8a: {  	s0 =	sadd.s32 s1, s0  }
0x8b: {  	[smem:$0x3FC5] =	sst s0  }
0x8c: {  	_ = 	snop  }
0x8d: {  	s0 =	sld [smem:$0x3FD0];
	_ =	sdelay $0x2  }
0x8e: {  	s13 =	simm.s32 $0xB;
	s2 =	simm.s32 $0x10  }
0x8f: {  	[smem:s2], [sflag:s13] =	dma.local [hbm:s0], $0x1  }
0x90: {  	_ =	swait.eq [sflag:s13], $0x1  }
0x91: {  	[sflag:s13] =	ssyncset.done $0x0  }
0x92: {  	s14 =	sld [smem:$0x10];
	[sflag:s13] =	ssyncadd.s32 $0xFFFFFFFF  }
0x93: {  	s15 =	sld [smem:$0x11];
	(tm) =	ssettm $0x1  }
0x94: {  	s16 =	sld [smem:$0x3FFB];
	_ =	sdelay $0x3  }
0x95: {  	_ =	strace s16  }
0x96: {  	s2 =	sld [smem:$0x3FFC];
	_ =	sdelay $0x3  }
0x97: {  	_ =	strace s2  }
0x98: {  	s2 =	sld [smem:$0x3FFD];
	_ =	sdelay $0x3  }
0x99: {  	_ =	strace s2  }
0x9a: {  	_ =	strace $0x8FFFFFFF  }
0x9b: {  	s17 =	sld [smem:$0x3FDB];
	_ =	sdelay $0x1  }
0x9c: {  	s3 =	simm.s32 $_scs_section_size  }
0x9d: {  	s4 =	simm.s32 $_size__tile_overlayer_lowered;
	s5 =	simm.s32 $_tile_overlayer_lowered  }
0x9e: {  	s20 =	simm.s32 $0x1BFF;
	s19 =	sshll.u32 s5, $0x1;
	s2 =	sadd.s32 s3, s17  }
0x9f: {  	s6 =	simm.s32 $0x0;
	s18 =	sshll.u32 s4, $0x1;
	s4 =	sadd.s32 s19, s2  }
0xa0: {  	[timem:s6], [sflag:s20] =	dma.local [hbm:s4], s18  }
0xa1: {  	_ =	swait.ge [sflag:s20], s18  }
0xa2: {  	s3 =	ssub.s32 $0x0, s18;
	[sflag:s20] =	ssyncset.done $0x0  }
0xa3: {  	[sflag:s20] =	ssyncadd.s32 s3;
	_ =	sdelay $0x1  }
0xa4: {  	s21 =	simm.s32 $0x1B8B  }
0xa5: {  	_ =	swait.ge [sflag:s21], $0x1  }
0xa6: {  	[sflag:s21] =	ssyncset.done $0x0  }
0xa7: {  	s23 =	simm.s32 $0x1B8E;
	s22 =	sld [smem:$0x3FFE];
	[sflag:s21] =	ssyncadd.s32 $0xFFFFFFFF  }
0xa8: {  	s24 =	simm.s32 $execute0_lowered;
	[smem:$0x3FD2] =	sst s23  }
0xa9: {  	s4 =	sshll.u32 s24, $0x1;
	_ =	strace $0x80000046;
	[dreg:$0x1] =	wrdreg $0xFFFFFFFF  }
0xaa: {  	s25 =	simm.s32 $_size_execute0_lowered;
	s2 =	sadd.s32 s2, s4;
	[dreg:$0x0] =	wrdreg $0x0  }
0xab: {  	s4 =	sshll.u32 s25, $0x1;
	[dreg:$0x2] =	wrdreg s2  }
0xac: {  	[dreg:$0x3] =	wrdreg s4  }
0xad: {  	[dreg:$0x4] =	wrdreg $0xC0  }
0xae: {  	_ =	task [dreg:s6], $0x5FFFF  }
0xaf: {  	[dreg:$0x1] =	wrdreg $0xFFFFFFFF  }
0xb0: {  	[dreg:$0x0] =	wrdreg $0x60  }
0xb1: {  	[dreg:$0x2] =	wrdreg s15  }
0xb2: {  	[dreg:$0x3] =	wrdreg s14  }
0xb3: {  	[dreg:$0x4] =	wrdreg s22  }
0xb4: {  	[dreg:$0x5] =	wrdreg $0xA  }
0xb5: {  	_ =	task.clear_ibuf [dreg:s6], $0x6FFFF;
	_ =	strace $0x90000046  }
0xb6: {  	s26 =	simm.s32 $0xA;
	_ =	strace $0x80000048  }
0xb7: {  	_ =	swait.ge [sflag:s26], $0x1  }
0xb8: {  	[sflag:s26] =	ssyncadd.s32 $0xFFFFFFFF  }
0xb9: {  	_ =	strace $0x90000048  }
0xba: {  	_ =	sfence  }
0xbb: {  	s28 =	sld [smem:$0x0];
	_ =	sdelay $0x1  }
0xbc: {  	s29 =	srdreg.scid  }
0xbd: {  	s30 =	sshll.u32 s29, $0xD;
	s31 =	sshrl.u32 s29, $0x2  }
0xbe: {  	s1 =	sand.u32 $0x1, s29;
	s2 =	sand.u32 $0x4000, s30;
	s0 =	sadd.s32 s31, s28  }
0xbf: {  	s1 =	sor.u32 s2, s1;
	s0 =	sshll.u32 s0, $0x11  }
0xc0: {  	s0 =	sor.u32 s0, s1  }
0xc1: {  	s0 =	sadd.s32 $0x8F2B, s0  }
0xc2: {  	[sflag:s0] =	ssyncadd.remote.s32 $0x1  }
0xc3: {  	_ =	sfence.sel $0xFFFF  }
0xc4: {  	[dreg:$0x0] =	wrdreg $0xFFFFFFFF;
	(pc) =	sbr.abs _section_cstart, $3  }
0xc5: {  	[dreg:$0x1] =	wrdreg $0xFFFFFFFF  }
0xc6: {  	_ =	task.clear_ibuf [dreg:s6], $0x2FFFF;
	_ =	strace $0x9FFFFFFF  }
0xc7: {  	(tm) =	ssettm $0x7FFFFFFF  }
tec
execute0_lowered:
.L_overlay_start_1:
0x0: {  	(tag) =	ssettag $0x1  }
0x1: {  	s1 =	rddreg [dreg:$0x0]  }
0x2: {  	s2 =	rddreg [dreg:$0x1]  }
0x3: {  	s3 =	rddreg [dreg:$0x2]  }
0x4: {  	s0 =	rddreg [dreg:$0x3];
	s4 =	stileid.u32  }
0x5: {  	_ =	strace $0x80000047;
	s5 =	simm.s32 $0x3E;
	p0 =	sne.s32 s4, $0x0  }
0x6: {  	[sflag:s5] =	ssyncpa.u1 $0x0;
	s6 =	simm.s32 @!p0 $0x1C3E;
	s7 =	simm.s32 @!p0 $0x0  }
0x7: {  	[spmem:s7], [sflag:s6] =	dma.local @!p0 [hbm:s1], $0x100  }
0x8: {  	s6 =	simm.s32 @!p0 $0x3E  }
0x9: {  	_ =	swait.ge @!p0 [sflag:s6], $0x100  }
0xa: {  	[sflag:s6] =	ssyncset.done @!p0 $0x0  }
0xb: {  	[sflag:s6] =	ssyncadd.s32 @!p0 $0xFFFFFF00  }
0xc: {  	s20 =	simm.s32 $0x1;
	s21 =	simm.s32 $0x2;
	[bflag:$0x0] =	sbarrier.arrive $0xFFFF  }
0xd: {  	s8 =	simm.s32 $0x0;
	s9 =	simm.s32 $0xC0;
	[sflag:s5] =	ssyncpa.u1 $0x1  }
0xe: {  	s3 =	sadd.s32 $0x800, s3;
	s4 =	sshll.u32 s4, $0x3;
	[sflag:s20] =	ssyncpa.u1 $0x0  }
0xf: {  	s2 =	sadd.s32 s2, s4;
	(ifvalue) =	ssetifvalue $0x800;
	[sflag:s21] =	ssyncpa.u1 $0x0  }
0x10: {  	[tilespmem:s9], [sflag:$0x2] =	stream.linear.gather [hbm4b:s2+s8], $0x40, $0x38;
	[tilespmem:$0x180] =	vst v63  }
0x11: {  	s23 =	simm.s32 $0x140;
	s22 =	sadd.s32 s3, s4  }
0x12: {  	[tilespmem:s23], [sflag:$0x2] =	stream.linear.gather [hbm4b:s22+s8], $0x40, $0x38;
	[tilespmem:$0x180] =	vst v63  }
0x13: {  	_ =	swait.ge [sflag:s21], $0x80  }
0x14: {  	[sflag:s21] =	ssyncset.done $0x0  }
0x15: {  	[sflag:s21] =	ssyncadd.s32 $0xFFFFFF80  }
0x16: {  	v0 =	vld.msk [tilespmem:s9+$0x0 ss:$0x1], $0xffff;
	_ =	sdelay $0x4  }
0x17: {  	v0 =	vmin.u32 v0, $0x800;
	_ =	sdelay $0x3  }
0x18: {  	vm0 =	vmmov $0xffff;
	s24 =	simm.s32 $0xD0  }
0x19: {  	[spmem:s8] =	stream.indirect_vreg.scatter.add.s32 [tilespmem:s23], [sflag:$0x1], $0x1, v0, vm0, $0x4038;
	[tilespmem:$0x180] =	vst v63  }
0x1a: {  	v0 =	vld.msk [tilespmem:s24+$0x0 ss:$0x1], $0xffff;
	_ =	sdelay $0x4  }
0x1b: {  	v0 =	vmin.u32 v0, $0x800;
	_ =	sdelay $0x3  }
0x1c: {  	s25 =	simm.s32 $0x150;
	s26 =	simm.s32 $0xE0  }
0x1d: {  	[spmem:s8] =	stream.indirect_vreg.scatter.add.s32 [tilespmem:s25], [sflag:$0x1], $0x1, v0, vm0, $0x4038;
	[tilespmem:$0x180] =	vst v63  }
0x1e: {  	v0 =	vld.msk [tilespmem:s26+$0x0 ss:$0x1], $0xffff;
	_ =	sdelay $0x4  }
0x1f: {  	v0 =	vmin.u32 v0, $0x800;
	_ =	sdelay $0x3  }
0x20: {  	s28 =	simm.s32 $0x160;
	s29 =	simm.s32 $0xF0  }
0x21: {  	[spmem:s8] =	stream.indirect_vreg.scatter.add.s32 [tilespmem:s28], [sflag:$0x1], $0x1, v0, vm0, $0x4038;
	[tilespmem:$0x180] =	vst v63  }
0x22: {  	v0 =	vld.msk [tilespmem:s29+$0x0 ss:$0x1], $0xffff;
	_ =	sdelay $0x4  }
0x23: {  	v0 =	vmin.u32 v0, $0x800;
	_ =	sdelay $0x3  }
0x24: {  	s30 =	simm.s32 $0x170  }
0x25: {  	[spmem:s8] =	stream.indirect_vreg.scatter.add.s32 [tilespmem:s30], [sflag:$0x1], $0x1, v0, vm0, $0x4038;
	[tilespmem:$0x180] =	vst v63  }
0x26: {  	_ =	swait.ge [sflag:s20], $0x40  }
0x27: {  	[sflag:s20] =	ssyncset.done $0x0  }
0x28: {  	[sflag:s20] =	ssyncadd.s32 $0xFFFFFFC0  }
0x29: {  	_ =	sfence.sel $0x180000  }
0x2a: {  	[bflag:$0x0] =	sbarrier.arrive $0xFFFF  }
0x2b: {  	[sflag:s21] =	ssyncpa.u1 $0x1  }
0x2c: {  	[sflag:s20] =	ssyncpa.u1 $0x1  }
0x2d: {  	_ =	sfence.stream.spmem  }
0x2e: {  	s31 =	simm.s32 $0x3D;
	[bflag:$0x0] =	sbarrier.arrive $0xFFFF  }
0x2f: {  	s2 =	simm.s32 @p0 $0x3D;
	[sflag:s31] =	ssyncpa.u1 $0x0  }
0x30: {  	[sflag:s2] =	ssyncpa.u1 @p0 $0x1  }
0x31: {  	[bflag:$0x0] =	sbarrier.arrive @p0 $0xFFFF  }
0x32: {  	_ =	strace @p0 $0x90000047  }
0x33: {  	s2 =	simm.s32 @!p0 $0x1C3D;
	[bflag:$0x2] =	sbarrier.arrive @p0 $0xFFFF  }
0x34: {  	[hbm:s1], [sflag:s2] =	dma.local @!p0 [spmem:s7], $0x100  }
0x35: {  	s1 =	simm.s32 @!p0 $0x3D  }
0x36: {  	_ =	swait.ge @!p0 [sflag:s1], $0x100  }
0x37: {  	[sflag:s1] =	ssyncset.done @!p0 $0x0  }
0x38: {  	[sflag:s1] =	ssyncadd.s32 @!p0 $0xFFFFFF00  }
0x39: {  	[sflag:s1] =	ssyncpa.u1 @!p0 $0x1  }
0x3a: {  	[bflag:$0x0] =	sbarrier.arrive @!p0 $0xFFFF  }
0x3b: {  	_ =	strace @!p0 $0x90000047  }
0x3c: {  	s0 =	sadd.s32 @!p0 $0x100000, s0;
	[bflag:$0x2] =	sbarrier.arrive @!p0 $0xFFFF  }
0x3d: {  	[sflag:s0] =	ssyncadd.tile.s32 @!p0 $0x1;
	_ =	shalt  }
.Lfunc_end2:
_tile_overlayer_lowered:
.L_overlay_start_2:
0x3e: {  	(tag) =	ssettag $0x2  }
0x3f: {  	s0 =	rddreg [dreg:$0x0];
	s2 =	stileid.u32  }
0x40: {  	s1 =	rddreg [dreg:$0x1];
	p0 =	sne.s32 s2, $0x0  }
0x41: {  	s3 =	rddreg [dreg:$0x2];
	[bflag:$0x3] =	sbarrier.arrive $0xFFFF;
	s2 =	simm.s32 @!p0 $0x1C01  }
0x42: {  	[timem:s3], [sflag:s2] =	dma.local @!p0 [hbm:s0], s1  }
0x43: {  	s0 =	simm.s32 @!p0 $0x1  }
0x44: {  	_ =	swait.ge @!p0 [sflag:s0], s1  }
0x45: {  	s1 =	ssub.s32 @!p0 $0x0, s1;
	[sflag:s0] =	ssyncset.done @!p0 $0x0  }
0x46: {  	[sflag:s0] =	ssyncadd.s32 @!p0 s1  }
0x47: {  	[bflag:$0x3] =	sbarrier.arrive $0xFFFF  }
0x48: {  	_ =	shalt  }

</sc_bundles>
